<compile_context>
chip_gen: v7x
topology: tpu7x:2x2x1
jax: 0.10.2.dev20260603
libtpu: 0.0.44.dev20260713+nightly
codegen_flags: <defaults>
</compile_context>

<pallas_src>
import functools

import jax
import jax.numpy as jnp
from jax import lax
from jax.experimental import pallas as pl
from jax.experimental.pallas import tpu as pltpu
from jax.experimental.pallas import tpu_sc as plsc

N_NODES = 10000
N_EDGES = 320000
D_FEAT = 128

NUM_CORES = 2
NUM_SUBCORES = 16
NUM_WORKERS = NUM_CORES * NUM_SUBCORES
EDGES_PER_WORKER = N_EDGES // NUM_WORKERS
LANES = 16
UNROLL = 5
WINDOW = EDGES_PER_WORKER + 112
WIN_A = 5120
SPLIT = 4992
REST = EDGES_PER_WORKER - SPLIT


def _tc_table_body(x_ref, w_ref, b_ref, t1_ref, t2_ref):
    nt = (((1,), (1,)), ((), ()))
    t1_ref[...] = lax.dot_general(w_ref[:, :D_FEAT], x_ref[...], nt,
                                  preferred_element_type=jnp.float32) + b_ref[0]
    t2_ref[...] = lax.dot_general(w_ref[:, D_FEAT:], x_ref[...], nt,
                                  preferred_element_type=jnp.float32)


def _make_tables(x, w, b):
    return pl.pallas_call(
        _tc_table_body,
        out_shape=[
            jax.ShapeDtypeStruct((1, N_NODES), jnp.float32),
            jax.ShapeDtypeStruct((1, N_NODES), jnp.float32),
        ],
        in_specs=[
            pl.BlockSpec(memory_space=pltpu.VMEM),
            pl.BlockSpec(memory_space=pltpu.VMEM),
            pl.BlockSpec(memory_space=pltpu.SMEM),
        ],
    )(x, w, b)


@functools.partial(
    pl.kernel,
    mesh=plsc.VectorSubcoreMesh(core_axis_name="c", subcore_axis_name="s"),
    out_type=jax.ShapeDtypeStruct((N_EDGES,), jnp.float32),
    compiler_params=pltpu.CompilerParams(
        needs_layout_passes=False,
        skip_device_barrier=True,
        disable_bounds_checks=True,
        disable_semaphore_checks=True,
    ),
    scratch_types=[
        pltpu.VMEM((N_NODES,), jnp.float32),
        pltpu.VMEM((N_NODES,), jnp.float32),
        pltpu.VMEM((2, WINDOW), jnp.int32),
        pltpu.VMEM((EDGES_PER_WORKER,), jnp.float32),
        pltpu.SemaphoreType.DMA,
        pltpu.SemaphoreType.DMA,
        pltpu.SemaphoreType.DMA,
        pltpu.SemaphoreType.DMA,
        pltpu.SemaphoreType.DMA,
    ],
)
def _sc_edge_scores(t1_hbm, t2_hbm, ei_hbm, out_hbm,
                    t1_v, t2_v, sd_v, o_v, sm1, sm2, sm3, sm4, sm5):
    wid = lax.axis_index("s") * NUM_CORES + lax.axis_index("c")
    base = wid * EDGES_PER_WORKER
    base_al = (base // 128) * 128
    delta = base - base_al

    c1 = pltpu.async_copy(t1_hbm.at[0], t1_v, sm1)
    c2 = pltpu.async_copy(t2_hbm.at[0], t2_v, sm2)
    c3a = pltpu.async_copy(
        ei_hbm.at[:, pl.ds(base_al, WIN_A)], sd_v.at[:, pl.ds(0, WIN_A)], sm3
    )
    c3b = pltpu.async_copy(
        ei_hbm.at[:, pl.ds(base_al + WIN_A, WINDOW - WIN_A)],
        sd_v.at[:, pl.ds(WIN_A, WINDOW - WIN_A)],
        sm4,
    )
    c1.wait()
    c2.wait()
    c3a.wait()

    @plsc.parallel_loop(0, SPLIT, LANES, unroll=UNROLL)
    def _(off):
        si = sd_v[0, pl.ds(delta + off, LANES)]
        di = sd_v[1, pl.ds(delta + off, LANES)]
        g1 = plsc.load_gather(t1_v, [si])
        g2 = plsc.load_gather(t2_v, [di])
        o_v[pl.ds(off, LANES)] = g1 + g2

    c4 = pltpu.async_copy(
        o_v.at[pl.ds(0, SPLIT)], out_hbm.at[pl.ds(base, SPLIT)], sm5
    )
    c3b.wait()

    @plsc.parallel_loop(SPLIT, EDGES_PER_WORKER, LANES, unroll=UNROLL)
    def _(off):
        si = sd_v[0, pl.ds(delta + off, LANES)]
        di = sd_v[1, pl.ds(delta + off, LANES)]
        g1 = plsc.load_gather(t1_v, [si])
        g2 = plsc.load_gather(t2_v, [di])
        o_v[pl.ds(off, LANES)] = g1 + g2

    c4.wait()
    pltpu.sync_copy(
        o_v.at[pl.ds(SPLIT, REST)], out_hbm.at[pl.ds(base + SPLIT, REST)]
    )


def kernel(x, edge_index, W_weight, W_bias):
    t1, t2 = _make_tables(x, W_weight, W_bias)
    scores = _sc_edge_scores(t1, t2, edge_index.astype(jnp.int32))
    return scores.reshape(N_EDGES, 1)

# --- scband reference (transcript-rebuilt; emitter-appended) ---
"""Pipeline reference for scband-mlppredictor-9869834846314 (READ-ONLY COPY).

The authoritative reference and input builder live on the scoring server;
editing this copy changes nothing except your own understanding.
"""

import jax, jax.numpy as jnp
import numpy as np

N_NODES = 10000
N_EDGES = 320000
D_FEAT = 128
OUT_CLASSES = 1


def setup_inputs(seed: int = 0) -> dict:
    key = jax.random.key(seed)
    k1, k2, k3, k4 = jax.random.split(key, 4)
    x = jax.random.normal(k1, (N_NODES, D_FEAT), dtype=jnp.float32)
    edge_index = jax.random.randint(k2, (2, N_EDGES), 0, N_NODES, dtype=jnp.int64)
    # nn.Linear(in_features*2, out_classes): weight [out, 2*in], bias [out]
    fan_in = 2 * D_FEAT
    bound = 1.0 / np.sqrt(fan_in)
    W_weight = jax.random.uniform(k3, (OUT_CLASSES, 2 * D_FEAT), minval=-bound, maxval=bound, dtype=jnp.float32)
    W_bias = jax.random.uniform(k4, (OUT_CLASSES,), minval=-bound, maxval=bound, dtype=jnp.float32)
    return {"x": x, "edge_index": edge_index, "W_weight": W_weight, "W_bias": W_bias}


def reference(x, edge_index, W_weight, W_bias):
    # DGL apply_edges: for each edge (u, v): score = W([h_u ; h_v])
    src = edge_index[0]
    dst = edge_index[1]
    h_u = jnp.take(x, src, axis=0)  # [E, d]
    h_v = jnp.take(x, dst, axis=0)  # [E, d]
    h = jnp.concatenate([h_u, h_v], axis=1)  # [E, 2d]
    score = h @ W_weight.T + W_bias  # [E, out_classes]
    return score

if __name__ == "__main__":
    import jax
    _d = setup_inputs()
    print(jax.jit(kernel)(*tuple(_d.values())))

</pallas_src>

<mosaic_0001>
#map = affine_map<(d0, d1) -> (0, 0)>
#map1 = affine_map<(d0, d1) -> (0)>
module attributes {stable_mosaic.version = 14 : i64} {
  func.func @_sc_edge_scores(%arg0: i32, %arg1: i32, %arg2: memref<1x10000xf32, #tpu.memory_space<hbm>>, %arg3: memref<1x10000xf32, #tpu.memory_space<hbm>>, %arg4: memref<2x320000xi32, #tpu.memory_space<hbm>>, %arg5: memref<320000xf32, #tpu.memory_space<hbm>>, %arg6: memref<10000xf32, #tpu.memory_space<vmem>>, %arg7: memref<10000xf32, #tpu.memory_space<vmem>>, %arg8: memref<2x10112xi32, #tpu.memory_space<vmem>>, %arg9: memref<10000xf32, #tpu.memory_space<vmem>>, %arg10: memref<!tpu.dma_semaphore, #tpu.memory_space<semaphore_mem>>, %arg11: memref<!tpu.dma_semaphore, #tpu.memory_space<semaphore_mem>>, %arg12: memref<!tpu.dma_semaphore, #tpu.memory_space<semaphore_mem>>, %arg13: memref<!tpu.dma_semaphore, #tpu.memory_space<semaphore_mem>>, %arg14: memref<!tpu.dma_semaphore, #tpu.memory_space<semaphore_mem>>) attributes {dimension_semantics = [#tpu.dimension_semantics<core_parallel>, #tpu.dimension_semantics<subcore_parallel>], iteration_bounds = array<i64: 2, 16>, scalar_prefetch = 0 : i64, scratch_operands = 9 : i64, tpu.core_type = #tpu.core_type<sc_vector_subcore>, window_params = [{transform_indices = #map}, {transform_indices = #map}, {transform_indices = #map}, {transform_indices = #map1}]} {
    %mul3A = arith.constant 2 : i32
    %mul3A_0 = arith.muli %arg1, %mul3A : i32
    %add3A = arith.addi %mul3A_0, %arg0 : i32
    %mul3A_1 = arith.constant 10000 : i32
    %mul3A_2 = arith.muli %add3A, %mul3A_1 : i32
    %jit3A = arith.constant 128 : i32
    %div3A = arith.divsi %mul3A_2, %jit3A : i32
    %sign3A = arith.constant 0 : i32
    %sign3A_3 = arith.cmpi sgt, %mul3A_2, %sign3A : i32
    %sign3A_4 = arith.extui %sign3A_3 : i1 to i32
    %sign3A_5 = arith.constant 0 : i32
    %sign3A_6 = arith.cmpi slt, %mul3A_2, %sign3A_5 : i32
    %sign3A_7 = arith.extui %sign3A_6 : i1 to i32
    %sign3A_8 = arith.subi %sign3A_4, %sign3A_7 : i32
    %sign3A_9 = arith.constant 0 : i32
    %sign3A_10 = arith.cmpi sgt, %jit3A, %sign3A_9 : i32
    %sign3A_11 = arith.extui %sign3A_10 : i1 to i32
    %sign3A_12 = arith.constant 0 : i32
    %sign3A_13 = arith.cmpi slt, %jit3A, %sign3A_12 : i32
    %sign3A_14 = arith.extui %sign3A_13 : i1 to i32
    %sign3A_15 = arith.subi %sign3A_11, %sign3A_14 : i32
    %ne3A = arith.cmpi ne, %sign3A_8, %sign3A_15 : i32
    %rem3A = arith.remsi %mul3A_2, %jit3A : i32
    %ne3A_16 = arith.constant 0 : i32
    %ne3A_17 = arith.cmpi ne, %rem3A, %ne3A_16 : i32
    %and3A = arith.andi %ne3A, %ne3A_17 : i1
    %sub3A = arith.constant 1 : i32
    %sub3A_18 = arith.subi %div3A, %sub3A : i32
    %select_n3A = arith.select %and3A, %sub3A_18, %div3A : i32
    %mul3A_19 = arith.constant 128 : i32
    %mul3A_20 = arith.muli %select_n3A, %mul3A_19 : i32
    %sub3A_21 = arith.subi %mul3A_2, %mul3A_20 : i32
    %dma_start3A = arith.constant 0 : i32
    %dma_start3A_22 = arith.constant 0 : i32
    %dma_start3A_23 = tpu.memref_slice %arg2[%dma_start3A, %dma_start3A_22] : memref<1x10000xf32, #tpu.memory_space<hbm>> -> memref<1x10000xf32, #tpu.memory_space<hbm>>
    %dma_start3A_24 = tpu.memref_squeeze %dma_start3A_23 : memref<1x10000xf32, #tpu.memory_space<hbm>> -> memref<10000xf32, #tpu.memory_space<hbm>>
    %dma_start3A_25 = arith.constant 0 : i32
    %dma_start3A_26 = tpu.memref_slice %arg2[%dma_start3A, %dma_start3A_25] : memref<1x10000xf32, #tpu.memory_space<hbm>> -> memref<1x10000xf32, #tpu.memory_space<hbm>>
    %dma_start3A_27 = tpu.memref_squeeze %dma_start3A_26 : memref<1x10000xf32, #tpu.memory_space<hbm>> -> memref<10000xf32, #tpu.memory_space<hbm>>
    tpu.enqueue_dma source(%dma_start3A_27 : memref<10000xf32, #tpu.memory_space<hbm>>) target(%arg6 : memref<10000xf32, #tpu.memory_space<vmem>>) target_semaphore(%arg10 : memref<!tpu.dma_semaphore, #tpu.memory_space<semaphore_mem>>)
    %dma_start3A_28 = arith.constant 0 : i32
    %dma_start3A_29 = arith.constant 0 : i32
    %dma_start3A_30 = tpu.memref_slice %arg3[%dma_start3A_28, %dma_start3A_29] : memref<1x10000xf32, #tpu.memory_space<hbm>> -> memref<1x10000xf32, #tpu.memory_space<hbm>>
    %dma_start3A_31 = tpu.memref_squeeze %dma_start3A_30 : memref<1x10000xf32, #tpu.memory_space<hbm>> -> memref<10000xf32, #tpu.memory_space<hbm>>
    %dma_start3A_32 = arith.constant 0 : i32
    %dma_start3A_33 = tpu.memref_slice %arg3[%dma_start3A_28, %dma_start3A_32] : memref<1x10000xf32, #tpu.memory_space<hbm>> -> memref<1x10000xf32, #tpu.memory_space<hbm>>
    %dma_start3A_34 = tpu.memref_squeeze %dma_start3A_33 : memref<1x10000xf32, #tpu.memory_space<hbm>> -> memref<10000xf32, #tpu.memory_space<hbm>>
    tpu.enqueue_dma source(%dma_start3A_34 : memref<10000xf32, #tpu.memory_space<hbm>>) target(%arg7 : memref<10000xf32, #tpu.memory_space<vmem>>) target_semaphore(%arg11 : memref<!tpu.dma_semaphore, #tpu.memory_space<semaphore_mem>>)
    %dma_start3A_35 = arith.constant 0 : i32
    %dma_start3A_36 = arith.constant 0 : i32
    %dma_start3A_37 = tpu.memref_slice %arg8[%dma_start3A_35, %dma_start3A_36] : memref<2x10112xi32, #tpu.memory_space<vmem>> -> memref<2x5120xi32, #tpu.memory_space<vmem>>
    %dma_start3A_38 = arith.constant 0 : i32
    %dma_start3A_39 = tpu.memref_slice %arg4[%dma_start3A_38, %mul3A_20] : memref<2x320000xi32, #tpu.memory_space<hbm>> -> memref<2x5120xi32, #tpu.memory_space<hbm>>
    %dma_start3A_40 = arith.constant 0 : i32
    %dma_start3A_41 = arith.constant 0 : i32
    %dma_start3A_42 = tpu.memref_slice %arg8[%dma_start3A_40, %dma_start3A_41] : memref<2x10112xi32, #tpu.memory_space<vmem>> -> memref<2x5120xi32, #tpu.memory_space<vmem>>
    %dma_start3A_43 = arith.constant 0 : i32
    %dma_start3A_44 = tpu.memref_slice %arg4[%dma_start3A_43, %mul3A_20] : memref<2x320000xi32, #tpu.memory_space<hbm>> -> memref<2x5120xi32, #tpu.memory_space<hbm>>
    tpu.enqueue_dma source(%dma_start3A_44 : memref<2x5120xi32, #tpu.memory_space<hbm>>) target(%dma_start3A_42 : memref<2x5120xi32, #tpu.memory_space<vmem>>) target_semaphore(%arg12 : memref<!tpu.dma_semaphore, #tpu.memory_space<semaphore_mem>>)
    %add3A_45 = arith.constant 5120 : i32
    %add3A_46 = arith.addi %mul3A_20, %add3A_45 : i32
    %dma_start3A_47 = arith.constant 0 : i32
    %dma_start3A_48 = arith.constant 5120 : i32
    %dma_start3A_49 = tpu.memref_slice %arg8[%dma_start3A_47, %dma_start3A_48] : memref<2x10112xi32, #tpu.memory_space<vmem>> -> memref<2x4992xi32, #tpu.memory_space<vmem>>
    %dma_start3A_50 = arith.constant 0 : i32
    %dma_start3A_51 = tpu.memref_slice %arg4[%dma_start3A_50, %add3A_46] : memref<2x320000xi32, #tpu.memory_space<hbm>> -> memref<2x4992xi32, #tpu.memory_space<hbm>>
    %dma_start3A_52 = arith.constant 0 : i32
    %dma_start3A_53 = arith.constant 5120 : i32
    %dma_start3A_54 = tpu.memref_slice %arg8[%dma_start3A_52, %dma_start3A_53] : memref<2x10112xi32, #tpu.memory_space<vmem>> -> memref<2x4992xi32, #tpu.memory_space<vmem>>
    %dma_start3A_55 = arith.constant 0 : i32
    %dma_start3A_56 = tpu.memref_slice %arg4[%dma_start3A_55, %add3A_46] : memref<2x320000xi32, #tpu.memory_space<hbm>> -> memref<2x4992xi32, #tpu.memory_space<hbm>>
    tpu.enqueue_dma source(%dma_start3A_56 : memref<2x4992xi32, #tpu.memory_space<hbm>>) target(%dma_start3A_54 : memref<2x4992xi32, #tpu.memory_space<vmem>>) target_semaphore(%arg13 : memref<!tpu.dma_semaphore, #tpu.memory_space<semaphore_mem>>)
    %dma_wait3A = arith.constant 0 : i32
    %dma_wait3A_57 = arith.constant 0 : i32
    %dma_wait3A_58 = tpu.memref_slice %arg2[%dma_wait3A, %dma_wait3A_57] : memref<1x10000xf32, #tpu.memory_space<hbm>> -> memref<1x10000xf32, #tpu.memory_space<hbm>>
    %dma_wait3A_59 = tpu.memref_squeeze %dma_wait3A_58 : memref<1x10000xf32, #tpu.memory_space<hbm>> -> memref<10000xf32, #tpu.memory_space<hbm>>
    %dma_wait3A_60 = arith.constant 0 : i32
    %dma_wait3A_61 = tpu.memref_slice %arg2[%dma_wait3A, %dma_wait3A_60] : memref<1x10000xf32, #tpu.memory_space<hbm>> -> memref<1x10000xf32, #tpu.memory_space<hbm>>
    %dma_wait3A_62 = tpu.memref_squeeze %dma_wait3A_61 : memref<1x10000xf32, #tpu.memory_space<hbm>> -> memref<10000xf32, #tpu.memory_space<hbm>>
    tpu.wait_dma2 semaphore(%arg10 : memref<!tpu.dma_semaphore, #tpu.memory_space<semaphore_mem>>) src(%dma_wait3A_62 : memref<10000xf32, #tpu.memory_space<hbm>>) dst(%arg6 : memref<10000xf32, #tpu.memory_space<vmem>>)
    %dma_wait3A_63 = arith.constant 0 : i32
    %dma_wait3A_64 = arith.constant 0 : i32
    %dma_wait3A_65 = tpu.memref_slice %arg3[%dma_wait3A_63, %dma_wait3A_64] : memref<1x10000xf32, #tpu.memory_space<hbm>> -> memref<1x10000xf32, #tpu.memory_space<hbm>>
    %dma_wait3A_66 = tpu.memref_squeeze %dma_wait3A_65 : memref<1x10000xf32, #tpu.memory_space<hbm>> -> memref<10000xf32, #tpu.memory_space<hbm>>
    %dma_wait3A_67 = arith.constant 0 : i32
    %dma_wait3A_68 = tpu.memref_slice %arg3[%dma_wait3A_63, %dma_wait3A_67] : memref<1x10000xf32, #tpu.memory_space<hbm>> -> memref<1x10000xf32, #tpu.memory_space<hbm>>
    %dma_wait3A_69 = tpu.memref_squeeze %dma_wait3A_68 : memref<1x10000xf32, #tpu.memory_space<hbm>> -> memref<10000xf32, #tpu.memory_space<hbm>>
    tpu.wait_dma2 semaphore(%arg11 : memref<!tpu.dma_semaphore, #tpu.memory_space<semaphore_mem>>) src(%dma_wait3A_69 : memref<10000xf32, #tpu.memory_space<hbm>>) dst(%arg7 : memref<10000xf32, #tpu.memory_space<vmem>>)
    %dma_wait3A_70 = arith.constant 0 : i32
    %dma_wait3A_71 = arith.constant 0 : i32
    %dma_wait3A_72 = tpu.memref_slice %arg8[%dma_wait3A_70, %dma_wait3A_71] : memref<2x10112xi32, #tpu.memory_space<vmem>> -> memref<2x5120xi32, #tpu.memory_space<vmem>>
    %dma_wait3A_73 = arith.constant 0 : i32
    %dma_wait3A_74 = tpu.memref_slice %arg4[%dma_wait3A_73, %mul3A_20] : memref<2x320000xi32, #tpu.memory_space<hbm>> -> memref<2x5120xi32, #tpu.memory_space<hbm>>
    %dma_wait3A_75 = arith.constant 0 : i32
    %dma_wait3A_76 = arith.constant 0 : i32
    %dma_wait3A_77 = tpu.memref_slice %arg8[%dma_wait3A_75, %dma_wait3A_76] : memref<2x10112xi32, #tpu.memory_space<vmem>> -> memref<2x5120xi32, #tpu.memory_space<vmem>>
    %dma_wait3A_78 = arith.constant 0 : i32
    %dma_wait3A_79 = tpu.memref_slice %arg4[%dma_wait3A_78, %mul3A_20] : memref<2x320000xi32, #tpu.memory_space<hbm>> -> memref<2x5120xi32, #tpu.memory_space<hbm>>
    tpu.wait_dma2 semaphore(%arg12 : memref<!tpu.dma_semaphore, #tpu.memory_space<semaphore_mem>>) src(%dma_wait3A_79 : memref<2x5120xi32, #tpu.memory_space<hbm>>) dst(%dma_wait3A_77 : memref<2x5120xi32, #tpu.memory_space<vmem>>)
    %parallel_loop3A = arith.constant 0 : i32
    %parallel_loop3A_80 = arith.constant 4992 : i32
    %parallel_loop3A_81 = arith.constant 16 : i32
    scf.for %parallel_loop3A_109 = %parallel_loop3A to %parallel_loop3A_80 step %parallel_loop3A_81  : i32 {
      %parallel_loop3A_110 = arith.addi %sub3A_21, %parallel_loop3A_109 : i32
      %parallel_loop3A_111 = arith.constant 0 : i32
      %parallel_loop3A_112 = arith.index_cast %parallel_loop3A_111 : i32 to index
      %parallel_loop3A_113 = arith.index_cast %parallel_loop3A_110 : i32 to index
      %parallel_loop3A_114 = tpu.vector_load %arg8[%parallel_loop3A_112, %parallel_loop3A_113] {strides = array<i32>} : memref<2x10112xi32, #tpu.memory_space<vmem>>, vector<16xi32>,
      %parallel_loop3A_115 = arith.addi %sub3A_21, %parallel_loop3A_109 : i32
      %parallel_loop3A_116 = arith.constant 1 : i32
      %parallel_loop3A_117 = arith.index_cast %parallel_loop3A_116 : i32 to index
      %parallel_loop3A_118 = arith.index_cast %parallel_loop3A_115 : i32 to index
      %parallel_loop3A_119 = tpu.vector_load %arg8[%parallel_loop3A_117, %parallel_loop3A_118] {strides = array<i32>} : memref<2x10112xi32, #tpu.memory_space<vmem>>, vector<16xi32>,
      %parallel_loop3A_120 = tpu.vector_load_idx %arg6[%parallel_loop3A_114] : memref<10000xf32, #tpu.memory_space<vmem>>[vector<16xi32>], vector<16xf32>,
      %parallel_loop3A_121 = tpu.vector_load_idx %arg7[%parallel_loop3A_119] : memref<10000xf32, #tpu.memory_space<vmem>>[vector<16xi32>], vector<16xf32>,
      %parallel_loop3A_122 = arith.addf %parallel_loop3A_120, %parallel_loop3A_121 : vector<16xf32>
      %parallel_loop3A_123 = arith.index_cast %parallel_loop3A_109 : i32 to index
      %parallel_loop3A_124 = tpu.vector_load %arg9[%parallel_loop3A_123] {strides = array<i32>} : memref<10000xf32, #tpu.memory_space<vmem>>, vector<16xf32>,
      tpu.vector_store %arg9[%parallel_loop3A_123], %parallel_loop3A_122 {strides = array<i32>} : memref<10000xf32, #tpu.memory_space<vmem>>, vector<16xf32>,
    } {sc.loop_unroll_factor = 5 : i64, sc.parallel_access}
    %dma_start3A_82 = arith.constant 0 : i32
    %dma_start3A_83 = tpu.memref_slice %arg9[%dma_start3A_82] : memref<10000xf32, #tpu.memory_space<vmem>> -> memref<4992xf32, #tpu.memory_space<vmem>>
    %dma_start3A_84 = tpu.memref_slice %arg5[%mul3A_2] : memref<320000xf32, #tpu.memory_space<hbm>> -> memref<4992xf32, #tpu.memory_space<hbm>>
    %dma_start3A_85 = tpu.memref_slice %arg5[%mul3A_2] : memref<320000xf32, #tpu.memory_space<hbm>> -> memref<4992xf32, #tpu.memory_space<hbm>>
    %dma_start3A_86 = arith.constant 0 : i32
    %dma_start3A_87 = tpu.memref_slice %arg9[%dma_start3A_86] : memref<10000xf32, #tpu.memory_space<vmem>> -> memref<4992xf32, #tpu.memory_space<vmem>>
    tpu.enqueue_dma source(%dma_start3A_87 : memref<4992xf32, #tpu.memory_space<vmem>>) target(%dma_start3A_85 : memref<4992xf32, #tpu.memory_space<hbm>>) target_semaphore(%arg14 : memref<!tpu.dma_semaphore, #tpu.memory_space<semaphore_mem>>)
    %dma_wait3A_88 = arith.constant 0 : i32
    %dma_wait3A_89 = arith.constant 5120 : i32
    %dma_wait3A_90 = tpu.memref_slice %arg8[%dma_wait3A_88, %dma_wait3A_89] : memref<2x10112xi32, #tpu.memory_space<vmem>> -> memref<2x4992xi32, #tpu.memory_space<vmem>>
    %dma_wait3A_91 = arith.constant 0 : i32
    %dma_wait3A_92 = tpu.memref_slice %arg4[%dma_wait3A_91, %add3A_46] : memref<2x320000xi32, #tpu.memory_space<hbm>> -> memref<2x4992xi32, #tpu.memory_space<hbm>>
    %dma_wait3A_93 = arith.constant 0 : i32
    %dma_wait3A_94 = arith.constant 5120 : i32
    %dma_wait3A_95 = tpu.memref_slice %arg8[%dma_wait3A_93, %dma_wait3A_94] : memref<2x10112xi32, #tpu.memory_space<vmem>> -> memref<2x4992xi32, #tpu.memory_space<vmem>>
    %dma_wait3A_96 = arith.constant 0 : i32
    %dma_wait3A_97 = tpu.memref_slice %arg4[%dma_wait3A_96, %add3A_46] : memref<2x320000xi32, #tpu.memory_space<hbm>> -> memref<2x4992xi32, #tpu.memory_space<hbm>>
    tpu.wait_dma2 semaphore(%arg13 : memref<!tpu.dma_semaphore, #tpu.memory_space<semaphore_mem>>) src(%dma_wait3A_97 : memref<2x4992xi32, #tpu.memory_space<hbm>>) dst(%dma_wait3A_95 : memref<2x4992xi32, #tpu.memory_space<vmem>>)
    %parallel_loop3A_98 = arith.constant 4992 : i32
    %parallel_loop3A_99 = arith.constant 10000 : i32
    %parallel_loop3A_100 = arith.constant 16 : i32
    scf.for %parallel_loop3A_109 = %parallel_loop3A_98 to %parallel_loop3A_99 step %parallel_loop3A_100  : i32 {
      %parallel_loop3A_110 = arith.addi %sub3A_21, %parallel_loop3A_109 : i32
      %parallel_loop3A_111 = arith.constant 0 : i32
      %parallel_loop3A_112 = arith.index_cast %parallel_loop3A_111 : i32 to index
      %parallel_loop3A_113 = arith.index_cast %parallel_loop3A_110 : i32 to index
      %parallel_loop3A_114 = tpu.vector_load %arg8[%parallel_loop3A_112, %parallel_loop3A_113] {strides = array<i32>} : memref<2x10112xi32, #tpu.memory_space<vmem>>, vector<16xi32>,
      %parallel_loop3A_115 = arith.addi %sub3A_21, %parallel_loop3A_109 : i32
      %parallel_loop3A_116 = arith.constant 1 : i32
      %parallel_loop3A_117 = arith.index_cast %parallel_loop3A_116 : i32 to index
      %parallel_loop3A_118 = arith.index_cast %parallel_loop3A_115 : i32 to index
      %parallel_loop3A_119 = tpu.vector_load %arg8[%parallel_loop3A_117, %parallel_loop3A_118] {strides = array<i32>} : memref<2x10112xi32, #tpu.memory_space<vmem>>, vector<16xi32>,
      %parallel_loop3A_120 = tpu.vector_load_idx %arg6[%parallel_loop3A_114] : memref<10000xf32, #tpu.memory_space<vmem>>[vector<16xi32>], vector<16xf32>,
      %parallel_loop3A_121 = tpu.vector_load_idx %arg7[%parallel_loop3A_119] : memref<10000xf32, #tpu.memory_space<vmem>>[vector<16xi32>], vector<16xf32>,
      %parallel_loop3A_122 = arith.addf %parallel_loop3A_120, %parallel_loop3A_121 : vector<16xf32>
      %parallel_loop3A_123 = arith.index_cast %parallel_loop3A_109 : i32 to index
      %parallel_loop3A_124 = tpu.vector_load %arg9[%parallel_loop3A_123] {strides = array<i32>} : memref<10000xf32, #tpu.memory_space<vmem>>, vector<16xf32>,
      tpu.vector_store %arg9[%parallel_loop3A_123], %parallel_loop3A_122 {strides = array<i32>} : memref<10000xf32, #tpu.memory_space<vmem>>, vector<16xf32>,
    } {sc.loop_unroll_factor = 5 : i64, sc.parallel_access}
    %dma_wait3A_101 = arith.constant 0 : i32
    %dma_wait3A_102 = tpu.memref_slice %arg9[%dma_wait3A_101] : memref<10000xf32, #tpu.memory_space<vmem>> -> memref<4992xf32, #tpu.memory_space<vmem>>
    %dma_wait3A_103 = tpu.memref_slice %arg5[%mul3A_2] : memref<320000xf32, #tpu.memory_space<hbm>> -> memref<4992xf32, #tpu.memory_space<hbm>>
    %dma_wait3A_104 = tpu.memref_slice %arg5[%mul3A_2] : memref<320000xf32, #tpu.memory_space<hbm>> -> memref<4992xf32, #tpu.memory_space<hbm>>
    %dma_wait3A_105 = arith.constant 0 : i32
    %dma_wait3A_106 = tpu.memref_slice %arg9[%dma_wait3A_105] : memref<10000xf32, #tpu.memory_space<vmem>> -> memref<4992xf32, #tpu.memory_space<vmem>>
    tpu.wait_dma2 semaphore(%arg14 : memref<!tpu.dma_semaphore, #tpu.memory_space<semaphore_mem>>) src(%dma_wait3A_106 : memref<4992xf32, #tpu.memory_space<vmem>>) dst(%dma_wait3A_104 : memref<4992xf32, #tpu.memory_space<hbm>>)
    %add3A_107 = arith.constant 4992 : i32
    %add3A_108 = arith.addi %mul3A_2, %add3A_107 : i32
    "tpu.region"() ({
      %run_scoped3A = tpu.sem_alloc : memref<!tpu.dma_semaphore, #tpu.memory_space<semaphore_mem>>
      %dma_start3A_109 = arith.constant 4992 : i32
      %dma_start3A_110 = tpu.memref_slice %arg9[%dma_start3A_109] : memref<10000xf32, #tpu.memory_space<vmem>> -> memref<5008xf32, #tpu.memory_space<vmem>>
      %dma_start3A_111 = tpu.memref_slice %arg5[%add3A_108] : memref<320000xf32, #tpu.memory_space<hbm>> -> memref<5008xf32, #tpu.memory_space<hbm>>
      %dma_start3A_112 = tpu.memref_slice %arg5[%add3A_108] : memref<320000xf32, #tpu.memory_space<hbm>> -> memref<5008xf32, #tpu.memory_space<hbm>>
      %dma_start3A_113 = arith.constant 4992 : i32
      %dma_start3A_114 = tpu.memref_slice %arg9[%dma_start3A_113] : memref<10000xf32, #tpu.memory_space<vmem>> -> memref<5008xf32, #tpu.memory_space<vmem>>
      tpu.enqueue_dma source(%dma_start3A_114 : memref<5008xf32, #tpu.memory_space<vmem>>) target(%dma_start3A_112 : memref<5008xf32, #tpu.memory_space<hbm>>) target_semaphore(%run_scoped3A : memref<!tpu.dma_semaphore, #tpu.memory_space<semaphore_mem>>)
      %dma_wait3A_115 = arith.constant 4992 : i32
      %dma_wait3A_116 = tpu.memref_slice %arg9[%dma_wait3A_115] : memref<10000xf32, #tpu.memory_space<vmem>> -> memref<5008xf32, #tpu.memory_space<vmem>>
      %dma_wait3A_117 = tpu.memref_slice %arg5[%add3A_108] : memref<320000xf32, #tpu.memory_space<hbm>> -> memref<5008xf32, #tpu.memory_space<hbm>>
      %dma_wait3A_118 = tpu.memref_slice %arg5[%add3A_108] : memref<320000xf32, #tpu.memory_space<hbm>> -> memref<5008xf32, #tpu.memory_space<hbm>>
      %dma_wait3A_119 = arith.constant 4992 : i32
      %dma_wait3A_120 = tpu.memref_slice %arg9[%dma_wait3A_119] : memref<10000xf32, #tpu.memory_space<vmem>> -> memref<5008xf32, #tpu.memory_space<vmem>>
      tpu.wait_dma2 semaphore(%run_scoped3A : memref<!tpu.dma_semaphore, #tpu.memory_space<semaphore_mem>>) src(%dma_wait3A_120 : memref<5008xf32, #tpu.memory_space<vmem>>) dst(%dma_wait3A_118 : memref<5008xf32, #tpu.memory_space<hbm>>)
      tpu.yield
    }) : () -> ()
    return
  }
}

module attributes {stable_mosaic.version = 14 : i64} {
  func.func @_tc_table_body(%arg0: memref<10000x128xf32, #tpu.memory_space<vmem>>, %arg1: memref<1x256xf32, #tpu.memory_space<vmem>>, %arg2: memref<1xf32, #tpu.memory_space<smem>>, %arg3: memref<1x10000xf32, #tpu.memory_space<vmem>>, %arg4: memref<1x10000xf32, #tpu.memory_space<vmem>>) attributes {dimension_semantics = [], scalar_prefetch = 0 : i64, scratch_operands = 0 : i64, tpu.core_type = #tpu.core_type<tc>} {
    %get3A = arith.constant 0 : index
    %get3A_0 = arith.constant 0 : index
    %get3A_1 = vector.load %arg1[%get3A, %get3A_0] : memref<1x256xf32, #tpu.memory_space<vmem>>, vector<1x128xf32>
    %get3A_2 = arith.constant 0 : index
    %get3A_3 = arith.constant 0 : index
    %get3A_4 = vector.load %arg0[%get3A_2, %get3A_3] : memref<10000x128xf32, #tpu.memory_space<vmem>>, vector<10000x128xf32>
    %dot_general3A = arith.constant dense<0.000000e+00> : vector<1x10000xf32>
    %dot_general3A_5 = tpu.matmul %get3A_1, %get3A_4, %dot_general3A {dimension_numbers = #tpu.dot_dimension_numbers<[1], [1], [0], [0], [0, 0, 1, 0], [], []>, transpose_lhs_hint = false} : vector<1x128xf32>, vector<10000x128xf32>, vector<1x10000xf32> -> vector<1x10000xf32>
    %get3A_6 = arith.constant 0 : index
    %get3A_7 = memref.load %arg2[%get3A_6] : memref<1xf32, #tpu.memory_space<smem>>
    %add3A = vector.broadcast %get3A_7 : f32 to vector<1x10000xf32>
    %add3A_8 = arith.addf %dot_general3A_5, %add3A : vector<1x10000xf32>
    %swap3A = arith.constant 0 : index
    %swap3A_9 = arith.constant 0 : index
    %swap3A_10 = vector.load %arg3[%swap3A, %swap3A_9] : memref<1x10000xf32, #tpu.memory_space<vmem>>, vector<1x10000xf32>
    tpu.vector_store %arg3[%swap3A, %swap3A_9], %add3A_8 {strides = array<i32>} : memref<1x10000xf32, #tpu.memory_space<vmem>>, vector<1x10000xf32>,
    %get3A_11 = arith.constant 0 : index
    %get3A_12 = arith.constant 128 : index
    %get3A_13 = vector.load %arg1[%get3A_11, %get3A_12] : memref<1x256xf32, #tpu.memory_space<vmem>>, vector<1x128xf32>
    %get3A_14 = arith.constant 0 : index
    %get3A_15 = arith.constant 0 : index
    %get3A_16 = vector.load %arg0[%get3A_14, %get3A_15] : memref<10000x128xf32, #tpu.memory_space<vmem>>, vector<10000x128xf32>
    %dot_general3A_17 = arith.constant dense<0.000000e+00> : vector<1x10000xf32>
    %dot_general3A_18 = tpu.matmul %get3A_13, %get3A_16, %dot_general3A_17 {dimension_numbers = #tpu.dot_dimension_numbers<[1], [1], [0], [0], [0, 0, 1, 0], [], []>, transpose_lhs_hint = false} : vector<1x128xf32>, vector<10000x128xf32>, vector<1x10000xf32> -> vector<1x10000xf32>
    %swap3A_19 = arith.constant 0 : index
    %swap3A_20 = arith.constant 0 : index
    %swap3A_21 = vector.load %arg4[%swap3A_19, %swap3A_20] : memref<1x10000xf32, #tpu.memory_space<vmem>>, vector<1x10000xf32>
    tpu.vector_store %arg4[%swap3A_19, %swap3A_20], %dot_general3A_18 {strides = array<i32>} : memref<1x10000xf32, #tpu.memory_space<vmem>>, vector<1x10000xf32>,
    return
  }
}

</mosaic_0001>

<sc_bundles>
// kernel: kernel.4.cloned.1.call-start
scs
__scs_entry_jumppad:
0x0: {  	(pc) =	sbr.rel $0x88, $3  }
0x1: {  	(tag) =	ssettag $0x0;
	lr =	simm.s32 $0x1  }
0x2: {  	[smem:$0x3F9D] =	sst lr;
	_ =	strace $0xD0000000  }
0x3: {  	_ = 	snop  }
0x4: {  	_ = 	snop  }
0x5: {  	_ = 	snop  }
0x6: {  	_ = 	snop  }
0x7: {  	_ = 	snop  }
__scs_overlays_trampoline_lowered:
0x8: {  	[smem:$0x3FAC] =	sst s0  }
0x9: {  	[smem:$0x3FAD] =	sst s1  }
0xa: {  	[smem:$0x3FAE] =	sst s2  }
0xb: {  	[smem:$0x3FAF] =	sst s3  }
0xc: {  	[smem:$0x3FB0] =	sst s4  }
0xd: {  	[smem:$0x3FB1] =	sst s5  }
0xe: {  	[smem:$0x3FB2] =	sst s6  }
0xf: {  	[smem:$0x3FB3] =	sst s7  }
0x10: {  	[smem:$0x3FB4] =	sst s8  }
0x11: {  	[smem:$0x3FB5] =	sst s9;
	s0 =	simm.s32 @!p0 $0x0  }
0x12: {  	s1 =	sld [smem:$0x3F9B];
	s0 =	simm.s32 @p0 $0x1  }
0x13: {  	[smem:$0x3FB6] =	sst s0;
	s0 =	simm.s32 @!p1 $0x0  }
0x14: {  	s2 =	sld [smem:$0x3F9A];
	s0 =	simm.s32 @p1 $0x1  }
0x15: {  	[smem:$0x3FB7] =	sst s0;
	s0 =	simm.s32 @!p2 $0x0  }
0x16: {  	s3 =	sld [smem:$0x3FDB];
	s0 =	simm.s32 @p2 $0x1  }
0x17: {  	s4 =	simm.s32 $0x1BF5;
	[smem:$0x3FB9] =	sst s0  }
0x18: {  	s0 =	sld [smem:$0x3F9C];
	_ =	swait.ge [sflag:s4], $0x0  }
0x19: {  	s7 =	sld [smem:$0x3F9D]  }
0x1a: {  	s8 =	sadd.s32 $0xFFFFE003, lr  }
0x1b: {  	s9 =	sadd.s32 $0xFFFFFEF7, lr;
	s5 =	simm.s32 $0xFFFFFFFF;
	p2 =	slt.u32 s8, $0xFFFFF086  }
0x1c: {  	p1 =	slt.u32 s9, $0xF7A;
	s5 =	simm.s32 @!p2 $0x0  }
0x1d: {  	s5 =	simm.s32 @p1 $0x1;
	p0 =	seq.s32 s7, s2  }
0x1e: {  	s7 =	smul.u32 @!p0 $0xF7A, s2;
	p2 =	seq.s32 @!p0 s5, $0x0  }
0x1f: {  	s9 =	smul.u32 $0xF7A, s1;
	s8 =	simm.s32 @!p0 $0x1BF5;
	p2 =	por !p2, p0  }
0x20: {  	[sflag:s8] =	ssyncset.s32 @!p0 $0xFFFFF086;
	s6 =	sadd.s32 @!p0 s3, s7;
	s7 =	simm.s32 @!p0 $0x108  }
0x21: {  	s3 =	sadd.s32 s3, s9;
	s6 =	sadd.s32 @!p0 $0x88, s6;
	s7 =	simm.s32 @p2 $0x1082  }
0x22: {  	[simem:s7], [sflag:s8] =	dma.local @!p0 [hbm:s6], $0xF7A  }
0x23: {  	s9 =	sor.u32 $0xD0000000, s2;
	s6 =	simm.s32 $0x108;
	_ =	swait.ge @!p0 [sflag:s8], $0x0  }
0x24: {  	s3 =	sadd.s32 $0x88, s3;
	s6 =	simm.s32 @!p1 $0x1082;
	[sflag:s4] =	ssyncset.s32 $0xFFFFF086  }
0x25: {  	[simem:s6], [sflag:s4] =	dma.local [hbm:s3], $0xF7A  }
0x26: {  	[smem:$0x3F9D] =	sst s1;
	(tag) =	ssettag s2;
	_ =	strace s9  }
0x27: {  	s1 =	sld [smem:$0x3FAD]  }
0x28: {  	s2 =	sld [smem:$0x3FAE]  }
0x29: {  	s4 =	sld [smem:$0x3FB0]  }
0x2a: {  	p0 =	seq.s32 s5, $0x0;
	s5 =	sld [smem:$0x3FB1]  }
0x2b: {  	s6 =	sld [smem:$0x3FB2]  }
0x2c: {  	s7 =	sld [smem:$0x3FB3]  }
0x2d: {  	s3 =	simm.s32 $0x108;
	s8 =	sld [smem:$0x3FB4]  }
0x2e: {  	s3 =	simm.s32 @!p0 $0x1082;
	s9 =	sld [smem:$0x3FB5]  }
0x2f: {  	lr =	sadd.s32 s0, s3;
	s0 =	sld [smem:$0x3FAC]  }
0x30: {  	s3 =	sld [smem:$0x3FAF]  }
0x31: {  	[smem:$0x3FB8] =	sst s10  }
0x32: {  	s10 =	sld [smem:$0x3FB6];
	_ =	sdelay $0x3  }
0x33: {  	p0 =	seq.s32 s10, $0x1;
	s10 =	sld [smem:$0x3FB8];
	_ =	sdelay $0x3  }
0x34: {  	[smem:$0x3FB8] =	sst s10  }
0x35: {  	s10 =	sld [smem:$0x3FB7];
	_ =	sdelay $0x3  }
0x36: {  	p1 =	seq.s32 s10, $0x1;
	s10 =	sld [smem:$0x3FB8];
	_ =	sdelay $0x3  }
0x37: {  	[smem:$0x3FB8] =	sst s10  }
0x38: {  	s10 =	sld [smem:$0x3FB9]  }
0x39: {  	_ = 	snop;
	(pc) =	sbr.ind lr, $3  }
0x3a: {  	_ = 	snop  }
0x3b: {  	_ = 	snop  }
0x3c: {  	p2 =	seq.s32 s10, $0x1;
	s10 =	sld [smem:$0x3FB8]  }
0x3d: {  	_ =	shalt  }
0x3e: {  	_ =	shalt  }
0x3f: {  	_ =	shalt  }
0x40: {  	_ =	shalt  }
0x41: {  	_ =	shalt  }
0x42: {  	_ =	shalt  }
0x43: {  	_ =	shalt  }
0x44: {  	_ =	shalt  }
0x45: {  	_ =	shalt  }
0x46: {  	_ =	shalt  }
0x47: {  	_ =	shalt  }
0x48: {  	_ =	shalt  }
0x49: {  	_ =	shalt  }
0x4a: {  	_ =	shalt  }
0x4b: {  	_ =	shalt  }
0x4c: {  	_ =	shalt  }
0x4d: {  	_ =	shalt  }
0x4e: {  	_ =	shalt  }
0x4f: {  	_ =	shalt  }
0x50: {  	_ =	shalt  }
0x51: {  	_ =	shalt  }
0x52: {  	_ =	shalt  }
0x53: {  	_ =	shalt  }
0x54: {  	_ =	shalt  }
0x55: {  	_ =	shalt  }
0x56: {  	_ =	shalt  }
0x57: {  	_ =	shalt  }
0x58: {  	_ =	shalt  }
0x59: {  	_ =	shalt  }
0x5a: {  	_ =	shalt  }
0x5b: {  	_ =	shalt  }
0x5c: {  	_ =	shalt  }
0x5d: {  	_ =	shalt  }
0x5e: {  	_ =	shalt  }
0x5f: {  	_ =	shalt  }
0x60: {  	_ =	shalt  }
0x61: {  	_ =	shalt  }
0x62: {  	_ =	shalt  }
0x63: {  	_ =	shalt  }
0x64: {  	_ =	shalt  }
0x65: {  	_ =	shalt  }
0x66: {  	_ =	shalt  }
0x67: {  	_ =	shalt  }
0x68: {  	_ =	shalt  }
0x69: {  	_ =	shalt  }
0x6a: {  	_ =	shalt  }
0x6b: {  	_ =	shalt  }
0x6c: {  	_ =	shalt  }
0x6d: {  	_ =	shalt  }
0x6e: {  	_ =	shalt  }
0x6f: {  	_ =	shalt  }
0x70: {  	_ =	shalt  }
0x71: {  	_ =	shalt  }
0x72: {  	_ =	shalt  }
0x73: {  	_ =	shalt  }
0x74: {  	_ =	shalt  }
0x75: {  	_ =	shalt  }
0x76: {  	_ =	shalt  }
0x77: {  	_ =	shalt  }
0x78: {  	_ =	shalt  }
0x79: {  	_ =	shalt  }
0x7a: {  	_ =	shalt  }
0x7b: {  	_ =	shalt  }
0x7c: {  	_ =	shalt  }
0x7d: {  	_ =	shalt  }
0x7e: {  	_ =	shalt  }
0x7f: {  	_ =	shalt  }
0x80: {  	_ =	shalt  }
0x81: {  	_ =	shalt  }
0x82: {  	_ =	shalt  }
0x83: {  	_ =	shalt  }
0x84: {  	_ =	shalt  }
0x85: {  	_ =	shalt  }
0x86: {  	_ =	shalt  }
0x87: {  	_ =	shalt  }
.Lfunc_end0:
.L_simem_size_0:
called_computation_lowered:
.L_overlay_start_0:
0x88: {  	s2 =	sld [smem:$0x3FD9]  }
0x89: {  	s3 =	sld [smem:$0x3FFE];
	_ =	sdelay $0x1  }
0x8a: {  	s1 =	srdreg.scid  }
0x8b: {  	s0 =	sand.u32 $0x1, s1  }
0x8c: {  	s17 =	sshll.u32 s0, $0xA;
	s2 =	sadd.s32 s3, s2  }
0x8d: {  	s2 =	sadd.s32 s2, s17  }
0x8e: {  	[smem:$0x3FC4] =	sst s2  }
0x8f: {  	_ = 	snop  }
0x90: {  	s2 =	sld [smem:$0x3FC8]  }
0x91: {  	s18 =	sld [smem:$0x3FD0];
	(tm) =	ssettm $0x1  }
0x92: {  	s4 =	sld [smem:$0x3FFB];
	_ =	sdelay $0x3  }
0x93: {  	_ =	strace s4  }
0x94: {  	s4 =	sld [smem:$0x3FFC];
	_ =	sdelay $0x3  }
0x95: {  	_ =	strace s4  }
0x96: {  	s4 =	sld [smem:$0x3FFD];
	_ =	sdelay $0x3  }
0x97: {  	_ =	strace s4  }
0x98: {  	_ =	strace $0x8FFFFFFF  }
0x99: {  	s19 =	sld [smem:$0x3FDB];
	_ =	sdelay $0x1  }
0x9a: {  	s5 =	simm.s32 $_scs_section_size  }
0x9b: {  	s6 =	simm.s32 $_size__tile_overlayer_lowered;
	s7 =	simm.s32 $_tile_overlayer_lowered  }
0x9c: {  	s22 =	simm.s32 $0x1BFF;
	s21 =	sshll.u32 s7, $0x1;
	s4 =	sadd.s32 s5, s19  }
0x9d: {  	s8 =	simm.s32 $0x0;
	s20 =	sshll.u32 s6, $0x1;
	s6 =	sadd.s32 s21, s4  }
0x9e: {  	[timem:s8], [sflag:s22] =	dma.local [hbm:s6], s20  }
0x9f: {  	_ =	swait.ge [sflag:s22], s20  }
0xa0: {  	s5 =	ssub.s32 $0x0, s20;
	[sflag:s22] =	ssyncset.done $0x0  }
0xa1: {  	[sflag:s22] =	ssyncadd.s32 s5;
	_ =	sdelay $0x1  }
0xa2: {  	s23 =	simm.s32 $0x1B8B  }
0xa3: {  	_ =	swait.ge [sflag:s23], $0x1  }
0xa4: {  	[sflag:s23] =	ssyncset.done $0x0  }
0xa5: {  	s25 =	simm.s32 $0x1B8E;
	s24 =	sld [smem:$0x3FFE];
	[sflag:s23] =	ssyncadd.s32 $0xFFFFFFFF  }
0xa6: {  	s26 =	simm.s32 $execute0_lowered;
	[smem:$0x3FD2] =	sst s25  }
0xa7: {  	s6 =	sshll.u32 s26, $0x1;
	_ =	strace $0x80000046;
	[dreg:$0x1] =	wrdreg $0xFFFFFFFF  }
0xa8: {  	s28 =	simm.s32 $_size_execute0_lowered;
	s4 =	sadd.s32 s4, s6;
	[dreg:$0x0] =	wrdreg $0x0  }
0xa9: {  	s6 =	sshll.u32 s28, $0x1;
	[dreg:$0x2] =	wrdreg s4  }
0xaa: {  	[dreg:$0x3] =	wrdreg s6  }
0xab: {  	[dreg:$0x4] =	wrdreg $0xC0  }
0xac: {  	_ =	task [dreg:s8], $0x5FFFF  }
0xad: {  	[dreg:$0x1] =	wrdreg $0xFFFFFFFF  }
0xae: {  	[dreg:$0x0] =	wrdreg $0x60  }
0xaf: {  	[dreg:$0x2] =	wrdreg s18  }
0xb0: {  	[dreg:$0x3] =	wrdreg s24  }
0xb1: {  	[dreg:$0x4] =	wrdreg s2  }
0xb2: {  	[dreg:$0x5] =	wrdreg $0x9  }
0xb3: {  	_ =	task.clear_ibuf [dreg:s8], $0x6FFFF;
	_ =	strace $0x90000046  }
0xb4: {  	s29 =	simm.s32 $0x9;
	_ =	strace $0x80000048  }
0xb5: {  	_ =	swait.ge [sflag:s29], $0x1  }
0xb6: {  	[sflag:s29] =	ssyncadd.s32 $0xFFFFFFFF  }
0xb7: {  	_ =	strace $0x90000048  }
0xb8: {  	_ =	sfence  }
0xb9: {  	s30 =	sld [smem:$0x0];
	_ =	sdelay $0x2  }
0xba: {  	s31 =	sshll.u32 s1, $0xD;
	s1 =	sshrl.u32 s1, $0x2  }
0xbb: {  	s3 =	sand.u32 $0x4000, s31;
	s1 =	sadd.s32 s1, s30  }
0xbc: {  	s0 =	sor.u32 s3, s0;
	s1 =	sshll.u32 s1, $0x11  }
0xbd: {  	s0 =	sor.u32 s1, s0  }
0xbe: {  	s0 =	sadd.s32 $0x8F2B, s0  }
0xbf: {  	[sflag:s0] =	ssyncadd.remote.s32 $0x1  }
0xc0: {  	_ =	sfence.sel $0xFFFF  }
0xc1: {  	[dreg:$0x0] =	wrdreg $0xFFFFFFFF;
	(pc) =	sbr.abs _section_cstart, $3  }
0xc2: {  	[dreg:$0x1] =	wrdreg $0xFFFFFFFF  }
0xc3: {  	_ =	task.clear_ibuf [dreg:s8], $0x2FFFF;
	_ =	strace $0x9FFFFFFF  }
0xc4: {  	(tm) =	ssettm $0x7FFFFFFF  }
0xc5: {  	_ =	shalt  }
tec
execute0_lowered:
.L_overlay_start_1:
0x0: {  	(tag) =	ssettag $0x1  }
0x1: {  	s0 =	rddreg [dreg:$0x1];
	s2 =	srdreg.scid  }
0x2: {  	s1 =	stileid.u32;
	s5 =	rddreg [dreg:$0x2]  }
0x3: {  	s3 =	simm.s32 $0x0;
	s17 =	simm.s32 $0x2780;
	s20 =	simm.s32 $0x1  }
0x4: {  	s21 =	simm.s32 $0x2;
	s22 =	simm.s32 $0x3;
	s28 =	simm.s32 $0x6  }
0x5: {  	s29 =	simm.s32 $0x0;
	s2 =	sand.u32 $0x1, s2;
	s4 =	sshll.u32 s1, $0x1  }
0x6: {  	[smem:$0x7FF] =	sst s3;
	s24 =	sadd.s32 $0xE00, s0;
	s7 =	smul.u32 $0x4E20, s1  }
0x7: {  	s4 =	sor.u32 s2, s4;
	_ =	strace $0x80000047;
	s9 =	smul.u32 $0x2710, s2  }
0x8: {  	[dreg:$0x4] =	wrdreg s24;
	s2 =	ssub.s32 $0x2, s2;
	s6 =	smul.u32 $0x2710, s4  }
0x9: {  	s24 =	simm.s32 $0x4;
	s25 =	sshrl.u32 s2, $0x1;
	s7 =	sadd.s32 s9, s7  }
0xa: {  	s2 =	ssub.s32 s2, s25;
	s25 =	simm.s32 $0x5;
	s8 =	sshrl.u32 s6, $0x3  }
0xb: {  	s6 =	sshrl.u32 s6, $0x2;
	s9 =	sshrl.u32 s7, $0x4;
	s0 =	sadd.s32 s8, s0  }
0xc: {  	s6 =	sand.u32 $0x1FFE0, s6;
	s31 =	sand.u32 $0x7, s9;
	s9 =	smax.u32 s2, $0x1  }
0xd: {  	s5 =	sadd.s32 s5, s6;
	s30 =	sadd.s32 $0x1400, s0;
	s0 =	sadd.s32 $0x1670, s0  }
0xe: {  	s10 =	sshll.u32 s31, $0x4;
	s26 =	sadd.s32 $0x500, s5;
	[dreg:$0x6] =	wrdreg s30  }
0xf: {  	[dreg:$0x7] =	wrdreg s0;
	s0 =	sshll.u32 s31, $0x5;
	s13 =	sadd.s32 $0x1360, s10  }
0x10: {  	s16 =	sadd.s32 $0x26E0, s10;
	[dreg:$0x5] =	wrdreg s26;
	s11 =	sadd.s32 $0x80, s0  }
0x11: {  	s12 =	sadd.s32 $0x26C0, s0;
	s14 =	sadd.s32 $0x2780, s0;
	s15 =	sadd.s32 $0x4DC0, s0  }
.LBB2_1:
0x12: {  	s0 =	rddreg [dreg:$0x0]  }
0x13: {  	[tilespmem:s3], [sflag:$0x1] =	stream.linear.gather [hbm4b:s0+s3], $0x2780, $0x38;
	[tilespmem:$0xC580] =	vst v63  }
0x14: {  	s4 =	rddreg [dreg:$0x4]  }
0x15: {  	[tilespmem:s17], [sflag:$0x2] =	stream.linear.gather [hbm4b:s4+s3], $0x2780, $0x38;
	[tilespmem:$0xC580] =	vst v63  }
0x16: {  	s6 =	simm.s32 $0x4F00  }
0x17: {  	[tilespmem:s6], [sflag:$0x3] =	stream.linear.gather [hbm4b:s5+s3], $0x2800, $0x38;
	[tilespmem:$0xC580] =	vst v63  }
0x18: {  	s7 =	rddreg [dreg:$0x5];
	s1 =	simm.s32 $0x7700  }
0x19: {  	[tilespmem:s1], [sflag:$0x4] =	stream.linear.gather [hbm4b:s7+s3], $0x2700, $0x38;
	[tilespmem:$0xC580] =	vst v63  }
0x1a: {  	_ =	swait.ge [sflag:s20], $0x2780  }
0x1b: {  	[sflag:s20] =	ssyncset.done $0x0  }
0x1c: {  	[sflag:s20] =	ssyncadd.s32 $0xFFFFD880  }
0x1d: {  	_ =	swait.ge [sflag:s21], $0x2780  }
0x1e: {  	[sflag:s21] =	ssyncset.done $0x0  }
0x1f: {  	s8 =	sadd.s32 $0xFFFFFFB0, s10;
	[sflag:s21] =	ssyncadd.s32 $0xFFFFD880  }
0x20: {  	s2 =	sadd.s32 $0x90, s8;
	_ =	swait.ge [sflag:s22], $0x2800  }
0x21: {  	s30 =	sand.u32 $0xFF00, s11;
	s2 =	sand.u32 $0x70, s2;
	[sflag:s22] =	ssyncset.done $0x0  }
0x22: {  	s2 =	sor.u32 s2, s30;
	[sflag:s22] =	ssyncadd.s32 $0xFFFFD800  }
0x23: {  	s18 =	sadd.s32 $0x50, s8;
	s30 =	sadd.s32 $0xFFFFFF80, s11;
	v0 =	vld [tilespmem:s2+$0x4F00]  }
0x24: {  	s19 =	sadd.s32 $0xFFFFFFA0, s11;
	s30 =	sand.u32 $0x7F00, s30;
	v1 =	vld [tilespmem:s2+$0x4F80];
	s2 =	sand.u32 $0x70, s18  }
0x25: {  	s31 =	sadd.s32 $0x60, s8;
	s0 =	sadd.s32 $0x80, s8;
	s2 =	sor.u32 s2, s30  }
0x26: {  	s1 =	sand.u32 $0xFF00, s19;
	s30 =	sand.u32 $0x70, s31;
	s31 =	sadd.s32 $0xFFFFFFE0, s11;
	v2 =	vld [tilespmem:s2+$0x4F00]  }
0x27: {  	s0 =	sand.u32 $0x70, s0;
	s1 =	sor.u32 s30, s1;
	v3 =	vld [tilespmem:s2+$0x4F80];
	s26 =	sand.u32 $0xFF00, s31  }
0x28: {  	s23 =	sadd.s32 $0x70, s8;
	s30 =	sadd.s32 $0xFFFFFFC0, s11;
	v4 =	vld [tilespmem:s1+$0x4F00];
	s0 =	sor.u32 s0, s26  }
0x29: {  	s2 =	sand.u32 $0x70, s23;
	s30 =	sand.u32 $0xFF00, s30;
	v8 =	vld [tilespmem:s0+$0x4F00]  }
0x2a: {  	s2 =	sor.u32 s2, s30;
	v9 =	vld [tilespmem:s0+$0x4F80]  }
0x2b: {  	v6 =	vld [tilespmem:s2+$0x4F00]  }
0x2c: {  	v7 =	vld [tilespmem:s2+$0x4F80]  }
0x2d: {  	v5 =	vld.idx.msk [tilespmem:v0+s3+$0x0], $0xffff  }
0x2e: {  	s4 =	sadd.s32 $0x0, s10;
	v1 =	vld.idx.msk [tilespmem:v1+s17+$0x0], $0xffff  }
0x2f: {  	s6 =	sadd.s32 $0x90, s4;
	s30 =	sadd.s32 $0xA0, s11;
	v0 =	vld [tilespmem:s1+$0x4F80]  }
0x30: {  	s7 =	sand.u32 $0xFF00, s30;
	s1 =	sand.u32 $0x70, s6;
	v10 =	vld.idx.msk [tilespmem:v2+s3+$0x0], $0xffff  }
0x31: {  	s1 =	sor.u32 s1, s7;
	v3 =	vld.idx.msk [tilespmem:v3+s17+$0x0], $0xffff  }
0x32: {  	v13 =	vld [tilespmem:s1+$0x4F80]  }
0x33: {  	v4 =	vld.idx.msk [tilespmem:v4+s3+$0x0], $0xffff  }
0x34: {  	v8 =	vld.idx.msk [tilespmem:v8+s3+$0x0], $0xffff  }
0x35: {  	s18 =	sadd.s32 $0xFFFFFF80, s30;
	v9 =	vld.idx.msk [tilespmem:v9+s17+$0x0], $0xffff  }
0x36: {  	s31 =	sadd.s32 $0x60, s4;
	s2 =	sand.u32 $0x7F00, s18;
	s18 =	sadd.s32 $0xFFFFFFA0, s30;
	v12 =	vld.idx.msk [tilespmem:v6+s3+$0x0], $0xffff  }
0x37: {  	s8 =	sadd.s32 $0x50, s4;
	s19 =	sand.u32 $0x70, s31;
	s18 =	sand.u32 $0xFF00, s18;
	v6 =	vld [tilespmem:s1+$0x4F00]  }
0x38: {  	s18 =	sor.u32 s19, s18;
	v7 =	vld.idx.msk [tilespmem:v7+s17+$0x0], $0xffff;
	s1 =	sand.u32 $0x70, s8  }
0x39: {  	v1 =	vadd.f32 v1, v5;
	v5 =	vld [tilespmem:s18+$0x4F80];
	s1 =	sor.u32 s1, s2  }
0x3a: {  	v14 =	vld [tilespmem:s1+$0x4F00]  }
0x3b: {  	v2 =	vld [tilespmem:s1+$0x4F80]  }
0x3c: {  	v11 =	vld.idx.msk [tilespmem:v0+s17+$0x0], $0xffff  }
0x3d: {  	s23 =	sadd.s32 $0x70, s4;
	s31 =	sadd.s32 $0xFFFFFFC0, s30;
	v0 =	vld [tilespmem:s18+$0x4F00]  }
0x3e: {  	s0 =	sadd.s32 $0x80, s4;
	s31 =	sand.u32 $0xFF00, s31;
	s1 =	sand.u32 $0x70, s23;
	v13 =	vld.idx.msk [tilespmem:v13+s17+$0x0], $0xffff  }
0x3f: {  	s19 =	sadd.s32 $0xFFFFFFE0, s30;
	s2 =	simm.s32 $0x9E20;
	v3 =	vadd.f32 v3, v10;
	s1 =	sor.u32 s1, s31;
	v15 =	vld.idx.msk [tilespmem:v6+s3+$0x0], $0xffff  }
0x40: {  	s0 =	sand.u32 $0x70, s0;
	s26 =	sand.u32 $0xFF00, s19;
	[tilespmem:s2+$0x20] =	vst v1;
	v8 =	vadd.f32 v9, v8;
	v6 =	vld [tilespmem:s1+$0x4F00]  }
0x41: {  	s0 =	sor.u32 s0, s26;
	[tilespmem:s2+$0xFFFFFFE0] =	vst v3;
	v3 =	vld [tilespmem:s1+$0x4F80];
	v1 =	vadd.f32 v11, v4  }
0x42: {  	v7 =	vadd.f32 v7, v12;
	[tilespmem:s2+$0x10] =	vst v8;
	v4 =	vld [tilespmem:s0+$0x4F00]  }
0x43: {  	[tilespmem:s2+$0xFFFFFFF0] =	vst v1;
	v1 =	vld [tilespmem:s0+$0x4F80]  }
0x44: {  	s31 =	simm.s32 $0xB160;
	[tilespmem:s2+$0x0] =	vst v7;
	s0 =	simm.s32 $0x50;
	v7 =	vld.idx.msk [tilespmem:v14+s3+$0x0], $0xffff;
	v8 =	vadd.f32 v13, v15  }
.LBB2_2:
0x45: {  	s1 =	sadd.s32 s0, s10;
	v2 =	vld.idx.msk [tilespmem:v2+s17+$0x0], $0xffff;
	s2 =	sadd.s32 $0x50, s2  }
0x46: {  	s0 =	sadd.s32 $0x50, s0;
	s30 =	sadd.s32 $0xA0, s30;
	s18 =	sadd.s32 $0x90, s1;
	v0 =	vld.idx.msk [tilespmem:v0+s3+$0x0], $0xffff;
	[tilespmem:s2+$0x20] =	vst v8  }
0x47: {  	s19 =	sand.u32 $0xFF00, s30;
	p0 =	slt.u32 s0, $0x1310;
	s18 =	sand.u32 $0x70, s18;
	v5 =	vld.idx.msk [tilespmem:v5+s17+$0x0], $0xffff  }
0x48: {  	s23 =	sadd.s32 $0x50, s1;
	s26 =	sadd.s32 $0x60, s1;
	s18 =	sor.u32 s18, s19;
	v6 =	vld.idx.msk [tilespmem:v6+s3+$0x0], $0xffff  }
0x49: {  	s4 =	sadd.s32 $0x70, s1;
	s1 =	sadd.s32 $0x80, s1;
	s19 =	sadd.s32 $0xFFFFFF80, s30;
	v8 =	vld [tilespmem:s18+$0x4F00]  }
0x4a: {  	s6 =	sadd.s32 $0xFFFFFFA0, s30;
	s7 =	sadd.s32 $0xFFFFFFC0, s30;
	s8 =	sadd.s32 $0xFFFFFFE0, s30;
	v9 =	vld [tilespmem:s18+$0x4F80]  }
0x4b: {  	s4 =	sand.u32 $0x70, s4;
	s18 =	sand.u32 $0x70, s23;
	s23 =	sand.u32 $0x70, s26;
	v2 =	vadd.f32 v2, v7;
	v3 =	vld.idx.msk [tilespmem:v3+s17+$0x0], $0xffff  }
0x4c: {  	s6 =	sand.u32 $0xFF00, s6;
	s1 =	sand.u32 $0x70, s1;
	s19 =	sand.u32 $0x7F00, s19;
	v4 =	vld.idx.msk [tilespmem:v4+s3+$0x0], $0xffff  }
0x4d: {  	s7 =	sand.u32 $0xFF00, s7;
	s8 =	sand.u32 $0xFF00, s8;
	s18 =	sor.u32 s18, s19;
	v0 =	vadd.f32 v5, v0;
	[tilespmem:s2+$0xFFFFFFE0] =	vst v2;
	v1 =	vld.idx.msk [tilespmem:v1+s17+$0x0], $0xffff  }
0x4e: {  	s4 =	sor.u32 s4, s7;
	s1 =	sor.u32 s1, s8;
	s6 =	sor.u32 s23, s6;
	v7 =	vld [tilespmem:s18+$0x4F00]  }
0x4f: {  	v2 =	vld [tilespmem:s18+$0x4F80];
	[tilespmem:s2+$0xFFFFFFF0] =	vst v0  }
0x50: {  	v0 =	vld [tilespmem:s6+$0x4F00]  }
0x51: {  	v3 =	vadd.f32 v3, v6;
	v8 =	vld.idx.msk [tilespmem:v8+s3+$0x0], $0xffff  }
0x52: {  	v9 =	vld.idx.msk [tilespmem:v9+s17+$0x0], $0xffff  }
0x53: {  	v1 =	vadd.f32 v1, v4;
	v5 =	vld [tilespmem:s6+$0x4F80];
	[tilespmem:s2+$0x0] =	vst v3  }
.Ltmp0:
0x54: {  	v6 =	vld [tilespmem:s4+$0x4F00];
	(pc) =	sbr.rel @p0 .LBB2_2-.Ltmp0, $4  }
0x55: {  	v3 =	vld [tilespmem:s4+$0x4F80];
	[tilespmem:s2+$0x10] =	vst v1  }
0x56: {  	v4 =	vld [tilespmem:s1+$0x4F00]  }
0x57: {  	v1 =	vld [tilespmem:s1+$0x4F80]  }
0x58: {  	v8 =	vadd.f32 v9, v8;
	v7 =	vld.idx.msk [tilespmem:v7+s3+$0x0], $0xffff  }
0x59: {  	_ =	sdelay $0x3  }
0x5a: {  	v2 =	vld.idx.msk [tilespmem:v2+s17+$0x0], $0xffff  }
0x5b: {  	v0 =	vld.idx.msk [tilespmem:v0+s3+$0x0], $0xffff  }
0x5c: {  	v5 =	vld.idx.msk [tilespmem:v5+s17+$0x0], $0xffff  }
0x5d: {  	v6 =	vld.idx.msk [tilespmem:v6+s3+$0x0], $0xffff  }
0x5e: {  	v3 =	vld.idx.msk [tilespmem:v3+s17+$0x0], $0xffff  }
0x5f: {  	v4 =	vld.idx.msk [tilespmem:v4+s3+$0x0], $0xffff  }
0x60: {  	v1 =	vld.idx.msk [tilespmem:v1+s17+$0x0], $0xffff;
	_ =	sdelay $0x1  }
0x61: {  	s1 =	sadd.s32 $0x50, s2;
	v2 =	vadd.f32 v2, v7  }
0x62: {  	[tilespmem:s1+$0x20] =	vst v8;
	v0 =	vadd.f32 v5, v0  }
0x63: {  	v62 =	vadd.f32 v3, v6;
	[tilespmem:s1+$0xFFFFFFE0] =	vst v2  }
0x64: {  	[tilespmem:s1+$0xFFFFFFF0] =	vst v0;
	v63 =	vadd.f32 v1, v4  }
0x65: {  	[tilespmem:s1+$0x0] =	vst v62  }
0x66: {  	s0 =	simm.s32 $0x1350;
	s2 =	smov.u32 s12;
	[tilespmem:s1+$0x10] =	vst v63  }
.LBB2_4:
0x67: {  	s1 =	sadd.s32 s0, s13  }
0x68: {  	s1 =	sadd.s32 $0xFFFFECB0, s1  }
0x69: {  	s4 =	sand.u32 $0x7F00, s2;
	s1 =	sand.u32 $0x70, s1  }
0x6a: {  	s1 =	sor.u32 s1, s4  }
0x6b: {  	v0 =	vld [tilespmem:s1+$0x4F00]  }
0x6c: {  	v1 =	vld [tilespmem:s1+$0x4F80];
	_ =	sdelay $0x6  }
0x6d: {  	v0 =	vld.idx.msk [tilespmem:v0+s3+$0x0], $0xffff  }
0x6e: {  	v1 =	vld.idx.msk [tilespmem:v1+s17+$0x0], $0xffff  }
0x6f: {  	s0 =	sadd.s32 $0x10, s0  }
0x70: {  	p0 =	slt.u32 s0, $0x1370  }
.Ltmp1:
0x71: {  	_ = 	snop;
	(pc) =	sbr.rel @p0 .LBB2_4-.Ltmp1, $3  }
0x72: {  	_ = 	snop  }
0x73: {  	v0 =	vadd.f32 v1, v0;
	_ =	sdelay $0x1  }
0x74: {  	s2 =	sadd.s32 $0x20, s2;
	[tilespmem:s31+$0x0] =	vst v0;
	s31 =	sadd.s32 $0x10, s31  }
0x75: {  	s0 =	rddreg [dreg:$0x6];
	s1 =	simm.s32 $0x9E00;
	s18 =	sadd.s32 $0x1330, s10  }
0x76: {  	[hbm4b:s0+s3] =	stream.linear.scatter [tilespmem:s1], [sflag:$0x5], $0x1380, $0x38;
	[tilespmem:$0xC580] =	vst v63  }
0x77: {  	s2 =	sand.u32 $0x1FF00, s14;
	s19 =	sadd.s32 $0x90, s18;
	s23 =	sadd.s32 $0x50, s18  }
0x78: {  	s4 =	sadd.s32 $0x60, s18;
	s7 =	sadd.s32 $0x70, s18;
	_ =	swait.ge [sflag:s24], $0x2700  }
0x79: {  	s0 =	sadd.s32 $0x80, s18;
	s1 =	sand.u32 $0x70, s19;
	[sflag:s24] =	ssyncset.done $0x0  }
0x7a: {  	s18 =	sadd.s32 $0xFFFFFFE0, s14;
	s1 =	sor.u32 s1, s2;
	[sflag:s24] =	ssyncadd.s32 $0xFFFFD900  }
0x7b: {  	s26 =	sadd.s32 $0xFFFFFF80, s14;
	s0 =	sand.u32 $0x70, s0;
	s19 =	sand.u32 $0x1FF00, s18;
	v0 =	vld [tilespmem:s1+$0x4F00]  }
0x7c: {  	s2 =	sand.u32 $0xFF00, s26;
	s0 =	sor.u32 s0, s19;
	v1 =	vld [tilespmem:s1+$0x4F80];
	s1 =	sand.u32 $0x70, s23  }
0x7d: {  	s6 =	sadd.s32 $0xFFFFFFA0, s14;
	v8 =	vld [tilespmem:s0+$0x4F00];
	s1 =	sor.u32 s1, s2  }
0x7e: {  	s8 =	sadd.s32 $0xFFFFFFC0, s14;
	s6 =	sand.u32 $0x1FF00, s6;
	s4 =	sand.u32 $0x70, s4;
	v2 =	vld [tilespmem:s1+$0x4F00]  }
0x7f: {  	s2 =	sor.u32 s4, s6;
	s4 =	sand.u32 $0x1FF00, s8;
	v3 =	vld [tilespmem:s1+$0x4F80];
	s1 =	sand.u32 $0x70, s7  }
0x80: {  	v9 =	vld [tilespmem:s0+$0x4F80];
	s0 =	sadd.s32 $0x1380, s10;
	s1 =	sor.u32 s1, s4  }
0x81: {  	s30 =	sadd.s32 $0xA0, s14;
	s23 =	sadd.s32 $0x90, s0;
	v6 =	vld [tilespmem:s1+$0x4F00]  }
0x82: {  	s26 =	sand.u32 $0x1FF00, s30;
	v7 =	vld [tilespmem:s1+$0x4F80];
	s1 =	sand.u32 $0x70, s23  }
0x83: {  	v4 =	vld [tilespmem:s2+$0x4F00];
	s1 =	sor.u32 s1, s26  }
0x84: {  	v13 =	vld [tilespmem:s1+$0x4F80]  }
0x85: {  	v5 =	vld.idx.msk [tilespmem:v0+s3+$0x0], $0xffff  }
0x86: {  	v1 =	vld.idx.msk [tilespmem:v1+s17+$0x0], $0xffff  }
0x87: {  	v0 =	vld [tilespmem:s2+$0x4F80]  }
0x88: {  	v8 =	vld.idx.msk [tilespmem:v8+s3+$0x0], $0xffff  }
0x89: {  	v9 =	vld.idx.msk [tilespmem:v9+s17+$0x0], $0xffff  }
0x8a: {  	v10 =	vld.idx.msk [tilespmem:v2+s3+$0x0], $0xffff  }
0x8b: {  	v3 =	vld.idx.msk [tilespmem:v3+s17+$0x0], $0xffff  }
0x8c: {  	s6 =	sadd.s32 $0x60, s0;
	v4 =	vld.idx.msk [tilespmem:v4+s3+$0x0], $0xffff  }
0x8d: {  	s7 =	sadd.s32 $0xFFFFFFA0, s30;
	s8 =	sand.u32 $0x70, s6;
	v12 =	vld.idx.msk [tilespmem:v6+s3+$0x0], $0xffff  }
0x8e: {  	s4 =	sadd.s32 $0xFFFFFF80, s30;
	s18 =	sand.u32 $0x1FF00, s7;
	s2 =	sadd.s32 $0x50, s0;
	v6 =	vld [tilespmem:s1+$0x4F00]  }
0x8f: {  	v7 =	vld.idx.msk [tilespmem:v7+s17+$0x0], $0xffff;
	s1 =	sand.u32 $0x70, s2;
	s2 =	sand.u32 $0xFF00, s4;
	s4 =	sor.u32 s8, s18  }
0x90: {  	s1 =	sor.u32 s1, s2;
	v1 =	vadd.f32 v1, v5;
	v5 =	vld [tilespmem:s4+$0x4F80]  }
0x91: {  	v14 =	vld [tilespmem:s1+$0x4F00]  }
0x92: {  	v2 =	vld [tilespmem:s1+$0x4F80]  }
0x93: {  	v13 =	vld.idx.msk [tilespmem:v13+s17+$0x0], $0xffff  }
0x94: {  	s19 =	sadd.s32 $0x70, s0;
	s23 =	sadd.s32 $0xFFFFFFC0, s30;
	v11 =	vld.idx.msk [tilespmem:v0+s17+$0x0], $0xffff  }
0x95: {  	s7 =	sadd.s32 $0xFFFFFFE0, s30;
	s6 =	sand.u32 $0x1FF00, s23;
	s1 =	sand.u32 $0x70, s19;
	v0 =	vld [tilespmem:s4+$0x4F00]  }
0x96: {  	s0 =	sadd.s32 $0x80, s0;
	s2 =	simm.s32 $0xB1C0;
	v3 =	vadd.f32 v3, v10;
	s1 =	sor.u32 s1, s6;
	v15 =	vld.idx.msk [tilespmem:v6+s3+$0x0], $0xffff  }
0x97: {  	s26 =	sand.u32 $0x1FF00, s7;
	s0 =	sand.u32 $0x70, s0;
	v8 =	vadd.f32 v9, v8;
	[tilespmem:s2+$0x0] =	vst v1;
	v6 =	vld [tilespmem:s1+$0x4F00]  }
0x98: {  	s0 =	sor.u32 s0, s26;
	[tilespmem:s2+$0xFFFFFFC0] =	vst v3;
	v7 =	vadd.f32 v7, v12;
	v3 =	vld [tilespmem:s1+$0x4F80]  }
0x99: {  	[tilespmem:s2+$0xFFFFFFF0] =	vst v8;
	v1 =	vadd.f32 v11, v4;
	v4 =	vld [tilespmem:s0+$0x4F00]  }
0x9a: {  	[tilespmem:s2+$0xFFFFFFE0] =	vst v7;
	v7 =	vld.idx.msk [tilespmem:v14+s3+$0x0], $0xffff  }
0x9b: {  	s31 =	simm.s32 $0xC4E0;
	[tilespmem:s2+$0xFFFFFFD0] =	vst v1;
	v1 =	vld [tilespmem:s0+$0x4F80];
	s0 =	simm.s32 $0x13D0;
	v8 =	vadd.f32 v13, v15  }
.LBB2_6:
0x9c: {  	s1 =	sadd.s32 s0, s10;
	v2 =	vld.idx.msk [tilespmem:v2+s17+$0x0], $0xffff;
	s2 =	sadd.s32 $0x50, s2  }
0x9d: {  	s0 =	sadd.s32 $0x50, s0;
	s30 =	sadd.s32 $0xA0, s30;
	s4 =	sadd.s32 $0x90, s1;
	v0 =	vld.idx.msk [tilespmem:v0+s3+$0x0], $0xffff;
	[tilespmem:s2+$0x0] =	vst v8  }
0x9e: {  	s6 =	sand.u32 $0x1FF00, s30;
	p0 =	slt.u32 s0, $0x2690;
	s4 =	sand.u32 $0x70, s4;
	v5 =	vld.idx.msk [tilespmem:v5+s17+$0x0], $0xffff  }
0x9f: {  	s7 =	sadd.s32 $0x50, s1;
	s8 =	sadd.s32 $0x60, s1;
	s4 =	sor.u32 s4, s6;
	v6 =	vld.idx.msk [tilespmem:v6+s3+$0x0], $0xffff  }
0xa0: {  	s18 =	sadd.s32 $0x70, s1;
	s1 =	sadd.s32 $0x80, s1;
	s6 =	sadd.s32 $0xFFFFFF80, s30;
	v8 =	vld [tilespmem:s4+$0x4F00]  }
0xa1: {  	s19 =	sadd.s32 $0xFFFFFFA0, s30;
	s23 =	sadd.s32 $0xFFFFFFC0, s30;
	s26 =	sadd.s32 $0xFFFFFFE0, s30;
	v9 =	vld [tilespmem:s4+$0x4F80]  }
0xa2: {  	s4 =	sand.u32 $0x70, s7;
	s7 =	sand.u32 $0x70, s8;
	s8 =	sand.u32 $0x70, s18;
	v2 =	vadd.f32 v2, v7;
	v3 =	vld.idx.msk [tilespmem:v3+s17+$0x0], $0xffff  }
0xa3: {  	s1 =	sand.u32 $0x70, s1;
	s6 =	sand.u32 $0xFF00, s6;
	s18 =	sand.u32 $0x1FF00, s19;
	v4 =	vld.idx.msk [tilespmem:v4+s3+$0x0], $0xffff  }
0xa4: {  	s19 =	sand.u32 $0x1FF00, s26;
	s4 =	sor.u32 s4, s6;
	s6 =	sand.u32 $0x1FF00, s23;
	v0 =	vadd.f32 v5, v0;
	[tilespmem:s2+$0xFFFFFFC0] =	vst v2;
	v1 =	vld.idx.msk [tilespmem:v1+s17+$0x0], $0xffff  }
0xa5: {  	s7 =	sor.u32 s7, s18;
	s1 =	sor.u32 s1, s19;
	s6 =	sor.u32 s8, s6;
	v7 =	vld [tilespmem:s4+$0x4F00]  }
0xa6: {  	v2 =	vld [tilespmem:s4+$0x4F80];
	[tilespmem:s2+$0xFFFFFFD0] =	vst v0  }
0xa7: {  	v0 =	vld [tilespmem:s7+$0x4F00]  }
0xa8: {  	v3 =	vadd.f32 v3, v6;
	v8 =	vld.idx.msk [tilespmem:v8+s3+$0x0], $0xffff  }
0xa9: {  	v9 =	vld.idx.msk [tilespmem:v9+s17+$0x0], $0xffff  }
0xaa: {  	v1 =	vadd.f32 v1, v4;
	v5 =	vld [tilespmem:s7+$0x4F80];
	[tilespmem:s2+$0xFFFFFFE0] =	vst v3  }
.Ltmp2:
0xab: {  	v6 =	vld [tilespmem:s6+$0x4F00];
	(pc) =	sbr.rel @p0 .LBB2_6-.Ltmp2, $4  }
0xac: {  	v3 =	vld [tilespmem:s6+$0x4F80];
	[tilespmem:s2+$0xFFFFFFF0] =	vst v1  }
0xad: {  	v4 =	vld [tilespmem:s1+$0x4F00]  }
0xae: {  	v1 =	vld [tilespmem:s1+$0x4F80]  }
0xaf: {  	v8 =	vadd.f32 v9, v8;
	v7 =	vld.idx.msk [tilespmem:v7+s3+$0x0], $0xffff  }
0xb0: {  	_ =	sdelay $0x3  }
0xb1: {  	v2 =	vld.idx.msk [tilespmem:v2+s17+$0x0], $0xffff  }
0xb2: {  	v0 =	vld.idx.msk [tilespmem:v0+s3+$0x0], $0xffff  }
0xb3: {  	v5 =	vld.idx.msk [tilespmem:v5+s17+$0x0], $0xffff  }
0xb4: {  	v6 =	vld.idx.msk [tilespmem:v6+s3+$0x0], $0xffff  }
0xb5: {  	v3 =	vld.idx.msk [tilespmem:v3+s17+$0x0], $0xffff  }
0xb6: {  	v4 =	vld.idx.msk [tilespmem:v4+s3+$0x0], $0xffff  }
0xb7: {  	v1 =	vld.idx.msk [tilespmem:v1+s17+$0x0], $0xffff;
	_ =	sdelay $0x1  }
0xb8: {  	s1 =	sadd.s32 $0x50, s2;
	v2 =	vadd.f32 v2, v7  }
0xb9: {  	[tilespmem:s1+$0x0] =	vst v8;
	v0 =	vadd.f32 v5, v0  }
0xba: {  	v62 =	vadd.f32 v3, v6;
	[tilespmem:s1+$0xFFFFFFC0] =	vst v2  }
0xbb: {  	[tilespmem:s1+$0xFFFFFFD0] =	vst v0;
	v63 =	vadd.f32 v1, v4  }
0xbc: {  	[tilespmem:s1+$0xFFFFFFE0] =	vst v62  }
0xbd: {  	s0 =	simm.s32 $0x26D0;
	s2 =	smov.u32 s15;
	[tilespmem:s1+$0xFFFFFFF0] =	vst v63  }
.LBB2_8:
0xbe: {  	s1 =	sadd.s32 s0, s16  }
0xbf: {  	s1 =	sadd.s32 $0xFFFFD930, s1  }
0xc0: {  	s4 =	sand.u32 $0xFF00, s2;
	s1 =	sand.u32 $0x70, s1  }
0xc1: {  	s1 =	sor.u32 s1, s4  }
0xc2: {  	v0 =	vld [tilespmem:s1+$0x4F00]  }
0xc3: {  	v1 =	vld [tilespmem:s1+$0x4F80];
	_ =	sdelay $0x6  }
0xc4: {  	v0 =	vld.idx.msk [tilespmem:v0+s3+$0x0], $0xffff  }
0xc5: {  	v1 =	vld.idx.msk [tilespmem:v1+s17+$0x0], $0xffff  }
0xc6: {  	s0 =	sadd.s32 $0x10, s0  }
0xc7: {  	p0 =	slt.u32 s0, $0x2700  }
.Ltmp3:
0xc8: {  	_ = 	snop;
	(pc) =	sbr.rel @p0 .LBB2_8-.Ltmp3, $3  }
0xc9: {  	_ = 	snop  }
0xca: {  	v0 =	vadd.f32 v1, v0;
	_ =	sdelay $0x1  }
0xcb: {  	s2 =	sadd.s32 $0x20, s2;
	[tilespmem:s31+$0x0] =	vst v0;
	s31 =	sadd.s32 $0x10, s31  }
0xcc: {  	_ =	swait.ge [sflag:s25], $0x1380;
	s29 =	sadd.s32 $0x1, s29  }
0xcd: {  	s1 =	simm.s32 $0xB180;
	[sflag:s25] =	ssyncset.done $0x0;
	p0 =	sne.s32 s29, s9  }
.Ltmp4:
0xce: {  	s0 =	rddreg [dreg:$0x7];
	[sflag:s25] =	ssyncadd.s32 $0xFFFFEC80;
	(pc) =	sbr.rel @p0 .LBB2_1-.Ltmp4, $4  }
0xcf: {  	[hbm4b:s0+s3] =	stream.linear.scatter [tilespmem:s1], [sflag:$0x6], $0x1390, $0x38;
	[tilespmem:$0xC580] =	vst v63  }
0xd0: {  	_ =	swait.ge [sflag:s28], $0x1390  }
0xd1: {  	[sflag:s28] =	ssyncset.done $0x0  }
0xd2: {  	[sflag:s28] =	ssyncadd.s32 $0xFFFFEC70  }
0xd3: {  	_ =	sfence.sel $0x180000  }
0xd4: {  	[bflag:$0x0] =	sbarrier.arrive $0xFFFF  }
0xd5: {  	_ =	strace $0x90000047  }
0xd6: {  	s0 =	stileid.u32;
	[bflag:$0x2] =	sbarrier.arrive $0xFFFF  }
0xd7: {  	p0 =	sne.s32 s0, $0x0;
	s0 =	rddreg [dreg:$0x3]  }
0xd8: {  	s0 =	sadd.s32 @!p0 $0x100000, s0  }
0xd9: {  	[sflag:s0] =	ssyncadd.tile.s32 @!p0 $0x1;
	_ =	shalt  }
.Lfunc_end2:
_tile_overlayer_lowered:
.L_overlay_start_2:
0xda: {  	(tag) =	ssettag $0x2  }
0xdb: {  	s0 =	rddreg [dreg:$0x0];
	s2 =	stileid.u32  }
0xdc: {  	s1 =	rddreg [dreg:$0x1];
	p0 =	sne.s32 s2, $0x0  }
0xdd: {  	s3 =	rddreg [dreg:$0x2];
	[bflag:$0x3] =	sbarrier.arrive $0xFFFF;
	s2 =	simm.s32 @!p0 $0x1C06  }
0xde: {  	[timem:s3], [sflag:s2] =	dma.local @!p0 [hbm:s0], s1  }
0xdf: {  	s0 =	simm.s32 @!p0 $0x6  }
0xe0: {  	_ =	swait.ge @!p0 [sflag:s0], s1  }
0xe1: {  	s1 =	ssub.s32 @!p0 $0x0, s1;
	[sflag:s0] =	ssyncset.done @!p0 $0x0  }
0xe2: {  	[sflag:s0] =	ssyncadd.s32 @!p0 s1  }
0xe3: {  	[bflag:$0x3] =	sbarrier.arrive $0xFFFF  }
0xe4: {  	_ =	shalt  }

</sc_bundles>
